<compile_context>
chip_gen: v7x
topology: tpu7x:2x2x1
jax: 0.10.2.dev20260603
libtpu: 0.0.44.dev20260713+nightly
codegen_flags: <defaults>
</compile_context>

<pallas_src>
import functools

import numpy as np
import jax
import jax.numpy as jnp
from jax import lax
from jax.experimental import pallas as pl
from jax.experimental.pallas import tpu as pltpu
from jax.experimental.pallas import tpu_sc as plsc

_L = 128
_V = 16


def _nll_body(conf_ref, tgt_ref, nll_ref, *, C):
    x = conf_ref[...][0]
    xt = x.T
    E = jnp.exp(xt)
    sums = jnp.sum(E, axis=0, keepdims=True)
    t = tgt_ref[...][0]
    riota = jax.lax.broadcasted_iota(jnp.int32, xt.shape, 0)
    g = jnp.sum(jnp.where(riota == t, xt, 0.0), axis=0, keepdims=True)
    nll_ref[...] = (jnp.log(sums) - g)[None]


def _sl1_body(r4_ref, d_ref, tgt_ref, out_ref):
    d = d_ref[...][0]
    a = jnp.abs(d)
    sl1 = jnp.where(a < 1.0, 0.5 * d * d, a - 0.5)
    posf = jnp.dot((tgt_ref[...][0] > 0).astype(jnp.float32), r4_ref[...],
                   preferred_element_type=jnp.float32)
    s = jnp.sum(sl1 * posf)
    lane0 = jax.lax.broadcasted_iota(jnp.int32, (1, _L), 1) == 0
    out_ref[...] = jnp.where(lane0, s, 0.0)[None]


def _sc_select_body(A, CH, nll_hbm, ct_hbm, out_hbm,
                    nll_v, ct_v, lossc_v, vec_v):
    nc = 2
    wid = lax.axis_index("s") * nc + lax.axis_index("c")
    nchunk = A // CH
    nvec = CH // _V

    def chunk_body(j, carry):
        pltpu.sync_copy(nll_hbm.at[wid, pl.ds(j * CH, CH)], nll_v)
        pltpu.sync_copy(ct_hbm.at[wid, pl.ds(j * CH, CH)], ct_v)

        def vec_body(i, c2):
            s0, g0, p, pn = c2
            v = nll_v[pl.ds(i * _V, _V)]
            t = ct_v[pl.ds(i * _V, _V)]
            pos = t > 0
            l = jnp.where(pos, 0.0, jnp.maximum(v, 0.0))
            lossc_v[pl.ds(j * CH + i * _V, _V)] = l
            one = jnp.ones((_V,), jnp.int32)
            zero = jnp.zeros((_V,), jnp.int32)
            return (s0 + l,
                    g0 + jnp.where(l > 0.0, one, zero),
                    p + jnp.where(pos, one, zero),
                    pn + jnp.where(pos, v, jnp.zeros((_V,), jnp.float32)))

        return lax.fori_loop(0, nvec, vec_body, carry)

    z_f = jnp.zeros((_V,), jnp.float32)
    z_i = jnp.zeros((_V,), jnp.int32)
    s0v, g0v, pv, pnv = lax.fori_loop(0, nchunk, chunk_body,
                                      (z_f, z_i, z_i, z_f))
    s0 = jnp.sum(s0v)
    g0 = jnp.sum(g0v)
    p = jnp.sum(pv)
    pn = jnp.sum(pnv)
    k = jnp.minimum(3 * p, A - 1)

    def easy_fn(_):
        return 0, g0, s0

    def hard_fn(_):
        def it(_, c2):
            lo, hi = c2
            mid = lo + ((hi - lo) >> 1)

            def cnt_body(i, acc):
                bits = plsc.bitcast(lossc_v[pl.ds(i * _V, _V)], jnp.int32)
                return acc + jnp.where(bits >= mid,
                                       jnp.ones((_V,), jnp.int32),
                                       jnp.zeros((_V,), jnp.int32))

            cnt = jnp.sum(lax.fori_loop(0, A // _V, cnt_body, z_i))
            big = cnt >= k
            return lax.select(big, mid, lo), lax.select(big, hi, mid)

        lo, _ = lax.fori_loop(0, 31, it, (0, 0x7F800001))

        def gs_body(i, c2):
            gacc, sacc = c2
            v = lossc_v[pl.ds(i * _V, _V)]
            bits = plsc.bitcast(v, jnp.int32)
            gt = bits > lo
            return (gacc + jnp.where(gt, jnp.ones((_V,), jnp.int32),
                                     jnp.zeros((_V,), jnp.int32)),
                    sacc + jnp.where(gt, v, z_f))

        gv, s1v = lax.fori_loop(0, A // _V, gs_body, (z_i, z_f))
        return lo, jnp.sum(gv), jnp.sum(s1v)

    tbits, G, S1 = lax.cond(k >= g0, easy_fn, hard_fn, None)
    tvec = plsc.bitcast(jnp.broadcast_to(tbits, (_V,)), jnp.float32)
    vec_v[...] = tvec
    T = vec_v[...][0]
    m = (k - G).astype(jnp.float32)
    negsum = S1 + jnp.where(m > 0, m * T, 0.0)
    row_conf = pn + negsum
    io = lax.broadcasted_iota(jnp.int32, (_V,), 0)
    vec_v[...] = (jnp.where(io == 0, row_conf, 0.0)
                  + jnp.where(io == 1, p.astype(jnp.float32), 0.0))
    pltpu.sync_copy(vec_v, out_hbm.at[pl.ds(wid * _V, _V)])


def kernel(loc, conf, loc_target, conf_target):
    b, A, C = conf.shape
    assert b == 32 and A % 2000 == 0
    ct = conf_target.astype(jnp.int32)
    ct3 = ct.reshape(b, 1, A)

    nll = pl.pallas_call(
        functools.partial(_nll_body, C=C),
        grid=(b,),
        in_specs=[
            pl.BlockSpec((1, A, C), lambda i: (i, 0, 0)),
            pl.BlockSpec((1, 1, A), lambda i: (i, 0, 0)),
        ],
        out_specs=pl.BlockSpec((1, 1, A), lambda i: (i, 0, 0)),
        out_shape=jax.ShapeDtypeStruct((b, 1, A), jnp.float32),
    )(conf, ct3)

    LB = (A * 4) // _L
    AW = _L // 4
    d2 = loc.reshape(b, LB, _L) - loc_target.reshape(b, LB, _L)
    ct_loc = ct.reshape(b, LB, AW)
    R4 = jnp.asarray(np.repeat(np.eye(AW, dtype=np.float32), 4, axis=1))

    sl1p = pl.pallas_call(
        _sl1_body,
        grid=(b,),
        in_specs=[
            pl.BlockSpec((AW, _L), lambda i: (0, 0)),
            pl.BlockSpec((1, LB, _L), lambda i: (i, 0, 0)),
            pl.BlockSpec((1, LB, AW), lambda i: (i, 0, 0)),
        ],
        out_specs=pl.BlockSpec((1, 1, _L), lambda i: (i, 0, 0)),
        out_shape=jax.ShapeDtypeStruct((b, 1, _L), jnp.float32),
    )(R4, d2, ct_loc)

    CH = 2000
    sel = pl.kernel(
        functools.partial(_sc_select_body, A, CH),
        out_type=jax.ShapeDtypeStruct((b * _V,), jnp.float32),
        mesh=plsc.VectorSubcoreMesh(core_axis_name="c", subcore_axis_name="s"),
        scratch_types=[
            pltpu.VMEM((CH,), jnp.float32),
            pltpu.VMEM((CH,), jnp.int32),
            pltpu.VMEM((A,), jnp.float32),
            pltpu.VMEM((_V,), jnp.float32),
        ],
        compiler_params=pltpu.CompilerParams(use_tc_tiling_on_sc=False,
                                             needs_layout_passes=False),
    )
    part = sel(nll.reshape(b, A), ct).reshape(b, _V)
    nf = jnp.sum(part[:, 1])
    lc_v = jnp.sum(part[:, 0]) / nf
    ll_v = jnp.sum(sl1p) / nf
    return (lc_v.reshape(()), ll_v.reshape(()), (lc_v + ll_v).reshape(()))

# --- scband reference (transcript-rebuilt; emitter-appended) ---
"""Pipeline reference for scband-multibox-loss-70050916598463 (READ-ONLY COPY).

The authoritative reference and input builder live on the scoring server;
editing this copy changes nothing except your own understanding.
"""

import jax, jax.numpy as jnp
import numpy as np


def setup_inputs(seed: int = 0) -> dict:
    key = jax.random.key(seed)
    k1, k2, k3, k4 = jax.random.split(key, 4)
    b, A, C = 32, 20000, 21
    loc = jax.random.normal(k1, (b, A, 4), dtype=jnp.float32)
    conf = jax.random.normal(k2, (b, A, C), dtype=jnp.float32)
    loc_target = jax.random.normal(k3, (b, A, 4), dtype=jnp.float32)
    conf_target = jax.random.randint(k4, (b, A), 0, C, dtype=jnp.int64)
    return {"loc": loc, "conf": conf, "loc_target": loc_target, "conf_target": conf_target}


def reference(loc, conf, loc_target, conf_target):
    n_classes = conf.shape[-1]
    neg_pos_ratio = 3
    b, A, C = conf.shape

    pos = conf_target > 0

    # smooth_l1 (beta=1) summed over positive anchors
    diff = loc - loc_target
    abs_d = jnp.abs(diff)
    sl1 = jnp.where(abs_d < 1.0, 0.5 * diff * diff, abs_d - 0.5)
    loss_loc = jnp.sum(sl1 * pos[..., None].astype(loc.dtype))

    # per-anchor loss for hard negative mining (global-max stabilized logsumexp, as in torch code)
    batch_conf = conf.reshape(-1, C)
    x_max = jnp.max(batch_conf)
    lse = jnp.log(jnp.sum(jnp.exp(batch_conf - x_max), axis=1, keepdims=True)) + x_max
    gathered = jnp.take_along_axis(batch_conf, conf_target.reshape(-1, 1), axis=1)
    loss_c = lse - gathered
    loss_c = jnp.where(pos.reshape(-1, 1), 0.0, loss_c)
    loss_c = loss_c.reshape(b, A)

    # rank anchors by descending loss
    loss_indices = jnp.argsort(-loss_c, axis=1)
    loss_rank = jnp.argsort(loss_indices, axis=1)

    num_pos = jnp.sum(pos.astype(jnp.int32), axis=1, keepdims=True)
    num_neg = jnp.minimum(neg_pos_ratio * num_pos, A - 1)
    neg = loss_rank < num_neg

    mask = pos | neg

    # cross entropy (per-row stable log_softmax, as F.cross_entropy) summed over mined anchors
    log_probs = jax.nn.log_softmax(conf, axis=-1)
    ce = -jnp.take_along_axis(log_probs, conf_target[..., None], axis=-1)[..., 0]
    loss_conf = jnp.sum(ce * mask.astype(conf.dtype))

    N = jnp.sum(num_pos).astype(conf.dtype)
    loss_conf = loss_conf / N
    loss_loc = loss_loc / N
    return (loss_conf, loss_loc, loss_loc + loss_conf)

if __name__ == "__main__":
    import jax
    _d = setup_inputs()
    print(jax.jit(kernel)(*tuple(_d.values())))

</pallas_src>

<mosaic_0001>
#map = affine_map<(d0, d1) -> (0, 0)>
#map1 = affine_map<(d0, d1) -> (0)>
module attributes {stable_mosaic.version = 14 : i64} {
  func.func @_sc_select_body(%arg0: i32, %arg1: i32, %arg2: memref<32x20000xf32, #tpu.memory_space<hbm>>, %arg3: memref<32x20000xi32, #tpu.memory_space<hbm>>, %arg4: memref<512xf32, #tpu.memory_space<hbm>>, %arg5: memref<2000xf32, #tpu.memory_space<vmem>>, %arg6: memref<2000xi32, #tpu.memory_space<vmem>>, %arg7: memref<20000xf32, #tpu.memory_space<vmem>>, %arg8: memref<16xf32, #tpu.memory_space<vmem>>) attributes {dimension_semantics = [#tpu.dimension_semantics<core_parallel>, #tpu.dimension_semantics<subcore_parallel>], iteration_bounds = array<i64: 2, 16>, scalar_prefetch = 0 : i64, scratch_operands = 4 : i64, tpu.core_type = #tpu.core_type<sc_vector_subcore>, window_params = [{transform_indices = #map}, {transform_indices = #map}, {transform_indices = #map1}]} {
    %mul3A = arith.constant 2 : i32
    %mul3A_0 = arith.muli %arg1, %mul3A : i32
    %add3A = arith.addi %mul3A_0, %arg0 : i32
    %broadcast_in_dim3A = arith.constant 0.000000e+00 : f32
    %broadcast_in_dim3A_1 = vector.broadcast %broadcast_in_dim3A : f32 to vector<16xf32>
    %broadcast_in_dim3A_2 = arith.constant 0 : i32
    %broadcast_in_dim3A_3 = vector.broadcast %broadcast_in_dim3A_2 : i32 to vector<16xi32>
    %scan3A = arith.constant 0 : i32
    %scan3A_4 = arith.constant 10 : i32
    %scan3A_5 = arith.addi %scan3A, %scan3A_4 : i32
    %scan3A_6 = arith.constant 1 : i32
    %scan3A_7:4 = scf.for %scan3A_56 = %scan3A to %scan3A_5 step %scan3A_6 iter_args(%scan3A_57 = %broadcast_in_dim3A_1, %scan3A_58 = %broadcast_in_dim3A_3, %scan3A_59 = %broadcast_in_dim3A_3, %scan3A_60 = %broadcast_in_dim3A_1) -> (vector<16xf32>, vector<16xi32>, vector<16xi32>, vector<16xf32>)  : i32 {
      %mul3A_61 = arith.constant 2000 : i32
      %mul3A_62 = arith.muli %scan3A_56, %mul3A_61 : i32
      "tpu.region"() ({
        %run_scoped3A = tpu.sem_alloc : memref<!tpu.dma_semaphore, #tpu.memory_space<semaphore_mem>>
        %dma_start3A = tpu.memref_slice %arg2[%add3A, %mul3A_62] : memref<32x20000xf32, #tpu.memory_space<hbm>> -> memref<1x2000xf32, #tpu.memory_space<hbm>>
        %dma_start3A_71 = tpu.memref_squeeze %dma_start3A : memref<1x2000xf32, #tpu.memory_space<hbm>> -> memref<2000xf32, #tpu.memory_space<hbm>>
        %dma_start3A_72 = tpu.memref_slice %arg2[%add3A, %mul3A_62] : memref<32x20000xf32, #tpu.memory_space<hbm>> -> memref<1x2000xf32, #tpu.memory_space<hbm>>
        %dma_start3A_73 = tpu.memref_squeeze %dma_start3A_72 : memref<1x2000xf32, #tpu.memory_space<hbm>> -> memref<2000xf32, #tpu.memory_space<hbm>>
        tpu.enqueue_dma source(%dma_start3A_73 : memref<2000xf32, #tpu.memory_space<hbm>>) target(%arg5 : memref<2000xf32, #tpu.memory_space<vmem>>) target_semaphore(%run_scoped3A : memref<!tpu.dma_semaphore, #tpu.memory_space<semaphore_mem>>)
        %dma_wait3A = tpu.memref_slice %arg2[%add3A, %mul3A_62] : memref<32x20000xf32, #tpu.memory_space<hbm>> -> memref<1x2000xf32, #tpu.memory_space<hbm>>
        %dma_wait3A_74 = tpu.memref_squeeze %dma_wait3A : memref<1x2000xf32, #tpu.memory_space<hbm>> -> memref<2000xf32, #tpu.memory_space<hbm>>
        %dma_wait3A_75 = tpu.memref_slice %arg2[%add3A, %mul3A_62] : memref<32x20000xf32, #tpu.memory_space<hbm>> -> memref<1x2000xf32, #tpu.memory_space<hbm>>
        %dma_wait3A_76 = tpu.memref_squeeze %dma_wait3A_75 : memref<1x2000xf32, #tpu.memory_space<hbm>> -> memref<2000xf32, #tpu.memory_space<hbm>>
        tpu.wait_dma2 semaphore(%run_scoped3A : memref<!tpu.dma_semaphore, #tpu.memory_space<semaphore_mem>>) src(%dma_wait3A_76 : memref<2000xf32, #tpu.memory_space<hbm>>) dst(%arg5 : memref<2000xf32, #tpu.memory_space<vmem>>)
        tpu.yield
      }) : () -> ()
      %mul3A_63 = arith.constant 2000 : i32
      %mul3A_64 = arith.muli %scan3A_56, %mul3A_63 : i32
      "tpu.region"() ({
        %run_scoped3A = tpu.sem_alloc : memref<!tpu.dma_semaphore, #tpu.memory_space<semaphore_mem>>
        %dma_start3A = tpu.memref_slice %arg3[%add3A, %mul3A_64] : memref<32x20000xi32, #tpu.memory_space<hbm>> -> memref<1x2000xi32, #tpu.memory_space<hbm>>
        %dma_start3A_71 = tpu.memref_squeeze %dma_start3A : memref<1x2000xi32, #tpu.memory_space<hbm>> -> memref<2000xi32, #tpu.memory_space<hbm>>
        %dma_start3A_72 = tpu.memref_slice %arg3[%add3A, %mul3A_64] : memref<32x20000xi32, #tpu.memory_space<hbm>> -> memref<1x2000xi32, #tpu.memory_space<hbm>>
        %dma_start3A_73 = tpu.memref_squeeze %dma_start3A_72 : memref<1x2000xi32, #tpu.memory_space<hbm>> -> memref<2000xi32, #tpu.memory_space<hbm>>
        tpu.enqueue_dma source(%dma_start3A_73 : memref<2000xi32, #tpu.memory_space<hbm>>) target(%arg6 : memref<2000xi32, #tpu.memory_space<vmem>>) target_semaphore(%run_scoped3A : memref<!tpu.dma_semaphore, #tpu.memory_space<semaphore_mem>>)
        %dma_wait3A = tpu.memref_slice %arg3[%add3A, %mul3A_64] : memref<32x20000xi32, #tpu.memory_space<hbm>> -> memref<1x2000xi32, #tpu.memory_space<hbm>>
        %dma_wait3A_74 = tpu.memref_squeeze %dma_wait3A : memref<1x2000xi32, #tpu.memory_space<hbm>> -> memref<2000xi32, #tpu.memory_space<hbm>>
        %dma_wait3A_75 = tpu.memref_slice %arg3[%add3A, %mul3A_64] : memref<32x20000xi32, #tpu.memory_space<hbm>> -> memref<1x2000xi32, #tpu.memory_space<hbm>>
        %dma_wait3A_76 = tpu.memref_squeeze %dma_wait3A_75 : memref<1x2000xi32, #tpu.memory_space<hbm>> -> memref<2000xi32, #tpu.memory_space<hbm>>
        tpu.wait_dma2 semaphore(%run_scoped3A : memref<!tpu.dma_semaphore, #tpu.memory_space<semaphore_mem>>) src(%dma_wait3A_76 : memref<2000xi32, #tpu.memory_space<hbm>>) dst(%arg6 : memref<2000xi32, #tpu.memory_space<vmem>>)
        tpu.yield
      }) : () -> ()
      %scan3A_65 = arith.constant 0 : i32
      %scan3A_66 = arith.constant 125 : i32
      %scan3A_67 = arith.addi %scan3A_65, %scan3A_66 : i32
      %scan3A_68 = arith.constant 1 : i32
      %scan3A_69:4 = scf.for %scan3A_71 = %scan3A_65 to %scan3A_67 step %scan3A_68 iter_args(%scan3A_72 = %scan3A_57, %scan3A_73 = %scan3A_58, %scan3A_74 = %scan3A_59, %scan3A_75 = %scan3A_60) -> (vector<16xf32>, vector<16xi32>, vector<16xi32>, vector<16xf32>)  : i32 {
        %mul3A_76 = arith.constant 16 : i32
        %mul3A_77 = arith.muli %scan3A_71, %mul3A_76 : i32
        %get3A_78 = arith.index_cast %mul3A_77 : i32 to index
        %get3A_79 = tpu.vector_load %arg5[%get3A_78] {strides = array<i32>} : memref<2000xf32, #tpu.memory_space<vmem>>, vector<16xf32>,
        %mul3A_80 = arith.constant 16 : i32
        %mul3A_81 = arith.muli %scan3A_71, %mul3A_80 : i32
        %get3A_82 = arith.index_cast %mul3A_81 : i32 to index
        %get3A_83 = tpu.vector_load %arg6[%get3A_82] {strides = array<i32>} : memref<2000xi32, #tpu.memory_space<vmem>>, vector<16xi32>,
        %gt3A_84 = arith.constant 0 : i32
        %gt3A_85 = vector.broadcast %gt3A_84 : i32 to vector<16xi32>
        %gt3A_86 = arith.cmpi sgt, %get3A_83, %gt3A_85 : vector<16xi32>
        %max3A = arith.constant 0.000000e+00 : f32
        %max3A_87 = vector.broadcast %max3A : f32 to vector<16xf32>
        %max3A_88 = arith.maximumf %get3A_79, %max3A_87 : vector<16xf32>
        %jit3A_89 = arith.constant 0.000000e+00 : f32
        %broadcast_in_dim3A_90 = vector.broadcast %jit3A_89 : f32 to vector<16xf32>
        %select_n3A_91 = arith.select %gt3A_86, %broadcast_in_dim3A_90, %max3A_88 : vector<16xi1>, vector<16xf32>
        %mul3A_92 = arith.constant 2000 : i32
        %mul3A_93 = arith.muli %scan3A_56, %mul3A_92 : i32
        %mul3A_94 = arith.constant 16 : i32
        %mul3A_95 = arith.muli %scan3A_71, %mul3A_94 : i32
        %add3A_96 = arith.addi %mul3A_93, %mul3A_95 : i32
        %swap3A_97 = arith.index_cast %add3A_96 : i32 to index
        %swap3A_98 = tpu.vector_load %arg7[%swap3A_97] {strides = array<i32>} : memref<20000xf32, #tpu.memory_space<vmem>>, vector<16xf32>,
        tpu.vector_store %arg7[%swap3A_97], %select_n3A_91 {strides = array<i32>} : memref<20000xf32, #tpu.memory_space<vmem>>, vector<16xf32>,
        %broadcast_in_dim3A_99 = arith.constant 1 : i32
        %broadcast_in_dim3A_100 = vector.broadcast %broadcast_in_dim3A_99 : i32 to vector<16xi32>
        %broadcast_in_dim3A_101 = arith.constant 0 : i32
        %broadcast_in_dim3A_102 = vector.broadcast %broadcast_in_dim3A_101 : i32 to vector<16xi32>
        %add3A_103 = arith.addf %scan3A_72, %select_n3A_91 : vector<16xf32>
        %gt3A_104 = arith.constant 0.000000e+00 : f32
        %gt3A_105 = vector.broadcast %gt3A_104 : f32 to vector<16xf32>
        %gt3A_106 = arith.cmpf ogt, %select_n3A_91, %gt3A_105 : vector<16xf32>
        %select_n3A_107 = arith.select %gt3A_106, %broadcast_in_dim3A_100, %broadcast_in_dim3A_102 : vector<16xi1>, vector<16xi32>
        %add3A_108 = arith.addi %scan3A_73, %select_n3A_107 : vector<16xi32>
        %select_n3A_109 = arith.select %gt3A_86, %broadcast_in_dim3A_100, %broadcast_in_dim3A_102 : vector<16xi1>, vector<16xi32>
        %add3A_110 = arith.addi %scan3A_74, %select_n3A_109 : vector<16xi32>
        %broadcast_in_dim3A_111 = arith.constant 0.000000e+00 : f32
        %broadcast_in_dim3A_112 = vector.broadcast %broadcast_in_dim3A_111 : f32 to vector<16xf32>
        %select_n3A_113 = arith.select %gt3A_86, %get3A_79, %broadcast_in_dim3A_112 : vector<16xi1>, vector<16xf32>
        %add3A_114 = arith.addf %scan3A_75, %select_n3A_113 : vector<16xf32>
        scf.yield %add3A_103, %add3A_108, %add3A_110, %add3A_114 : vector<16xf32>, vector<16xi32>, vector<16xi32>, vector<16xf32>
      }
      %scan3A_70 = arith.constant 125 : i32
      scf.yield %scan3A_69#0, %scan3A_69#1, %scan3A_69#2, %scan3A_69#3 : vector<16xf32>, vector<16xi32>, vector<16xi32>, vector<16xf32>
    }
    %scan3A_8 = arith.constant 10 : i32
    %reduce_sum3A = arith.constant true
    %reduce_sum3A_9 = vector.broadcast %reduce_sum3A : i1 to vector<16xi1>
    %reduce_sum3A_10 = tpu.scan <sum>, %scan3A_7#0 masked %reduce_sum3A_9 : vector<16xf32>, vector<16xi1> -> vector<16xf32>
    %reduce_sum3A_11 = vector.extract %reduce_sum3A_10[15] : f32 from vector<16xf32>
    %reduce_sum3A_12 = arith.constant true
    %reduce_sum3A_13 = vector.broadcast %reduce_sum3A_12 : i1 to vector<16xi1>
    %reduce_sum3A_14 = tpu.scan <sum>, %scan3A_7#1 masked %reduce_sum3A_13 : vector<16xi32>, vector<16xi1> -> vector<16xi32>
    %reduce_sum3A_15 = vector.extract %reduce_sum3A_14[15] : i32 from vector<16xi32>
    %reduce_sum3A_16 = arith.constant true
    %reduce_sum3A_17 = vector.broadcast %reduce_sum3A_16 : i1 to vector<16xi1>
    %reduce_sum3A_18 = tpu.scan <sum>, %scan3A_7#2 masked %reduce_sum3A_17 : vector<16xi32>, vector<16xi1> -> vector<16xi32>
    %reduce_sum3A_19 = vector.extract %reduce_sum3A_18[15] : i32 from vector<16xi32>
    %reduce_sum3A_20 = arith.constant true
    %reduce_sum3A_21 = vector.broadcast %reduce_sum3A_20 : i1 to vector<16xi1>
    %reduce_sum3A_22 = tpu.scan <sum>, %scan3A_7#3 masked %reduce_sum3A_21 : vector<16xf32>, vector<16xi1> -> vector<16xf32>
    %reduce_sum3A_23 = vector.extract %reduce_sum3A_22[15] : f32 from vector<16xf32>
    %mul3A_24 = arith.constant 3 : i32
    %mul3A_25 = arith.muli %mul3A_24, %reduce_sum3A_19 : i32
    %min3A = arith.constant 19999 : i32
    %min3A_26 = arith.minsi %mul3A_25, %min3A : i32
    %ge3A = arith.cmpi sge, %min3A_26, %reduce_sum3A_15 : i32
    %convert_element_type3A = arith.extui %ge3A : i1 to i32
    %cond3A = arith.constant 0 : i32
    %cond3A_27 = arith.cmpi ne, %convert_element_type3A, %cond3A : i32
    %cond3A_28:3 = scf.if %cond3A_27 -> (i32, i32, f32) {
      %cond3A_56 = arith.constant 0 : i32
      scf.yield %cond3A_56, %reduce_sum3A_15, %reduce_sum3A_11 : i32, i32, f32
    } else {
      %scan3A_56 = arith.constant 0 : i32
      %scan3A_57 = arith.constant 2139095041 : i32
      %scan3A_58 = arith.constant 0 : i32
      %scan3A_59 = arith.constant 31 : i32
      %scan3A_60 = arith.addi %scan3A_58, %scan3A_59 : i32
      %scan3A_61 = arith.constant 1 : i32
      %scan3A_62:2 = scf.for %scan3A_78 = %scan3A_58 to %scan3A_60 step %scan3A_61 iter_args(%scan3A_79 = %scan3A_56, %scan3A_80 = %scan3A_57) -> (i32, i32)  : i32 {
        %sub3A_81 = arith.subi %scan3A_80, %scan3A_79 : i32
        %shift_right_arithmetic3A = arith.constant 1 : i32
        %shift_right_arithmetic3A_82 = arith.shrsi %sub3A_81, %shift_right_arithmetic3A : i32
        %add3A_83 = arith.addi %scan3A_79, %shift_right_arithmetic3A_82 : i32
        %scan3A_84 = arith.constant 0 : i32
        %scan3A_85 = arith.constant 1250 : i32
        %scan3A_86 = arith.addi %scan3A_84, %scan3A_85 : i32
        %scan3A_87 = arith.constant 1 : i32
        %scan3A_88 = scf.for %scan3A_97 = %scan3A_84 to %scan3A_86 step %scan3A_87 iter_args(%scan3A_98 = %broadcast_in_dim3A_3) -> (vector<16xi32>)  : i32 {
          %mul3A_99 = arith.constant 16 : i32
          %mul3A_100 = arith.muli %scan3A_97, %mul3A_99 : i32
          %get3A_101 = arith.index_cast %mul3A_100 : i32 to index
          %get3A_102 = tpu.vector_load %arg7[%get3A_101] {strides = array<i32>} : memref<20000xf32, #tpu.memory_space<vmem>>, vector<16xf32>,
          %bitcast3A_103 = vector.bitcast %get3A_102 : vector<16xf32> to vector<16xi32>
          %ge3A_104 = vector.broadcast %add3A_83 : i32 to vector<16xi32>
          %ge3A_105 = arith.cmpi sge, %bitcast3A_103, %ge3A_104 : vector<16xi32>
          %broadcast_in_dim3A_106 = arith.constant 1 : i32
          %broadcast_in_dim3A_107 = vector.broadcast %broadcast_in_dim3A_106 : i32 to vector<16xi32>
          %broadcast_in_dim3A_108 = arith.constant 0 : i32
          %broadcast_in_dim3A_109 = vector.broadcast %broadcast_in_dim3A_108 : i32 to vector<16xi32>
          %select_n3A_110 = arith.select %ge3A_105, %broadcast_in_dim3A_107, %broadcast_in_dim3A_109 : vector<16xi1>, vector<16xi32>
          %add3A_111 = arith.addi %scan3A_98, %select_n3A_110 : vector<16xi32>
          scf.yield %add3A_111 : vector<16xi32>
        }
        %scan3A_89 = arith.constant 1250 : i32
        %reduce_sum3A_90 = arith.constant true
        %reduce_sum3A_91 = vector.broadcast %reduce_sum3A_90 : i1 to vector<16xi1>
        %reduce_sum3A_92 = tpu.scan <sum>, %scan3A_88 masked %reduce_sum3A_91 : vector<16xi32>, vector<16xi1> -> vector<16xi32>
        %reduce_sum3A_93 = vector.extract %reduce_sum3A_92[15] : i32 from vector<16xi32>
        %ge3A_94 = arith.cmpi sge, %reduce_sum3A_93, %min3A_26 : i32
        %select_n3A_95 = arith.select %ge3A_94, %add3A_83, %scan3A_79 : i32
        %select_n3A_96 = arith.select %ge3A_94, %scan3A_80, %add3A_83 : i32
        scf.yield %select_n3A_95, %select_n3A_96 : i32, i32
      }
      %scan3A_63 = arith.constant 31 : i32
      %scan3A_64 = arith.constant 0 : i32
      %scan3A_65 = arith.constant 1250 : i32
      %scan3A_66 = arith.addi %scan3A_64, %scan3A_65 : i32
      %scan3A_67 = arith.constant 1 : i32
      %scan3A_68:2 = scf.for %scan3A_78 = %scan3A_64 to %scan3A_66 step %scan3A_67 iter_args(%scan3A_79 = %broadcast_in_dim3A_3, %scan3A_80 = %broadcast_in_dim3A_1) -> (vector<16xi32>, vector<16xf32>)  : i32 {
        %mul3A_81 = arith.constant 16 : i32
        %mul3A_82 = arith.muli %scan3A_78, %mul3A_81 : i32
        %get3A_83 = arith.index_cast %mul3A_82 : i32 to index
        %get3A_84 = tpu.vector_load %arg7[%get3A_83] {strides = array<i32>} : memref<20000xf32, #tpu.memory_space<vmem>>, vector<16xf32>,
        %bitcast3A_85 = vector.bitcast %get3A_84 : vector<16xf32> to vector<16xi32>
        %gt3A_86 = vector.broadcast %scan3A_62#0 : i32 to vector<16xi32>
        %gt3A_87 = arith.cmpi sgt, %bitcast3A_85, %gt3A_86 : vector<16xi32>
        %broadcast_in_dim3A_88 = arith.constant 1 : i32
        %broadcast_in_dim3A_89 = vector.broadcast %broadcast_in_dim3A_88 : i32 to vector<16xi32>
        %broadcast_in_dim3A_90 = arith.constant 0 : i32
        %broadcast_in_dim3A_91 = vector.broadcast %broadcast_in_dim3A_90 : i32 to vector<16xi32>
        %select_n3A_92 = arith.select %gt3A_87, %broadcast_in_dim3A_89, %broadcast_in_dim3A_91 : vector<16xi1>, vector<16xi32>
        %add3A_93 = arith.addi %scan3A_79, %select_n3A_92 : vector<16xi32>
        %select_n3A_94 = arith.select %gt3A_87, %get3A_84, %broadcast_in_dim3A_1 : vector<16xi1>, vector<16xf32>
        %add3A_95 = arith.addf %scan3A_80, %select_n3A_94 : vector<16xf32>
        scf.yield %add3A_93, %add3A_95 : vector<16xi32>, vector<16xf32>
      }
      %scan3A_69 = arith.constant 1250 : i32
      %reduce_sum3A_70 = arith.constant true
      %reduce_sum3A_71 = vector.broadcast %reduce_sum3A_70 : i1 to vector<16xi1>
      %reduce_sum3A_72 = tpu.scan <sum>, %scan3A_68#0 masked %reduce_sum3A_71 : vector<16xi32>, vector<16xi1> -> vector<16xi32>
      %reduce_sum3A_73 = vector.extract %reduce_sum3A_72[15] : i32 from vector<16xi32>
      %reduce_sum3A_74 = arith.constant true
      %reduce_sum3A_75 = vector.broadcast %reduce_sum3A_74 : i1 to vector<16xi1>
      %reduce_sum3A_76 = tpu.scan <sum>, %scan3A_68#1 masked %reduce_sum3A_75 : vector<16xf32>, vector<16xi1> -> vector<16xf32>
      %reduce_sum3A_77 = vector.extract %reduce_sum3A_76[15] : f32 from vector<16xf32>
      scf.yield %scan3A_62#0, %reduce_sum3A_73, %reduce_sum3A_77 : i32, i32, f32
    }
    %broadcast_in_dim3A_29 = vector.broadcast %cond3A_28#0 : i32 to vector<16xi32>
    %bitcast3A = vector.bitcast %broadcast_in_dim3A_29 : vector<16xi32> to vector<16xf32>
    %swap3A = arith.constant 0 : index
    %swap3A_30 = tpu.vector_load %arg8[%swap3A] {strides = array<i32>} : memref<16xf32, #tpu.memory_space<vmem>>, vector<16xf32>,
    tpu.vector_store %arg8[%swap3A], %bitcast3A {strides = array<i32>} : memref<16xf32, #tpu.memory_space<vmem>>, vector<16xf32>,
    %get3A = arith.constant 0 : index
    %get3A_31 = tpu.vector_load %arg8[%get3A] {strides = array<i32>} : memref<16xf32, #tpu.memory_space<vmem>>, vector<16xf32>,
    %slice3A = vector.extract_strided_slice %get3A_31 {offsets = [0], sizes = [1], strides = [1]} : vector<16xf32> to vector<1xf32>
    %squeeze3A = vector.extract %slice3A[0] : f32 from vector<1xf32>
    %sub3A = arith.subi %min3A_26, %cond3A_28#1 : i32
    %convert_element_type3A_32 = arith.sitofp %sub3A : i32 to f32
    %gt3A = arith.constant 0.000000e+00 : f32
    %gt3A_33 = arith.cmpf ogt, %convert_element_type3A_32, %gt3A : f32
    %mul3A_34 = arith.mulf %convert_element_type3A_32, %squeeze3A : f32
    %jit3A = arith.constant 0.000000e+00 : f32
    %select_n3A = arith.select %gt3A_33, %mul3A_34, %jit3A : f32
    %add3A_35 = arith.addf %cond3A_28#2, %select_n3A : f32
    %add3A_36 = arith.addf %reduce_sum3A_23, %add3A_35 : f32
    %iota3A = tpu.iota {dimensions = array<i32: 0>} : vector<16xi32>
    %eq3A = arith.constant 0 : i32
    %eq3A_37 = vector.broadcast %eq3A : i32 to vector<16xi32>
    %eq3A_38 = arith.cmpi eq, %iota3A, %eq3A_37 : vector<16xi32>
    %jit3A_39 = arith.constant 0.000000e+00 : f32
    %broadcast_in_dim3A_40 = vector.broadcast %add3A_36 : f32 to vector<16xf32>
    %broadcast_in_dim3A_41 = vector.broadcast %jit3A_39 : f32 to vector<16xf32>
    %select_n3A_42 = arith.select %eq3A_38, %broadcast_in_dim3A_40, %broadcast_in_dim3A_41 : vector<16xi1>, vector<16xf32>
    %eq3A_43 = arith.constant 1 : i32
    %eq3A_44 = vector.broadcast %eq3A_43 : i32 to vector<16xi32>
    %eq3A_45 = arith.cmpi eq, %iota3A, %eq3A_44 : vector<16xi32>
    %convert_element_type3A_46 = arith.sitofp %reduce_sum3A_19 : i32 to f32
    %jit3A_47 = arith.constant 0.000000e+00 : f32
    %broadcast_in_dim3A_48 = vector.broadcast %convert_element_type3A_46 : f32 to vector<16xf32>
    %broadcast_in_dim3A_49 = vector.broadcast %jit3A_47 : f32 to vector<16xf32>
    %select_n3A_50 = arith.select %eq3A_45, %broadcast_in_dim3A_48, %broadcast_in_dim3A_49 : vector<16xi1>, vector<16xf32>
    %add3A_51 = arith.addf %select_n3A_42, %select_n3A_50 : vector<16xf32>
    %swap3A_52 = arith.constant 0 : index
    %swap3A_53 = tpu.vector_load %arg8[%swap3A_52] {strides = array<i32>} : memref<16xf32, #tpu.memory_space<vmem>>, vector<16xf32>,
    tpu.vector_store %arg8[%swap3A_52], %add3A_51 {strides = array<i32>} : memref<16xf32, #tpu.memory_space<vmem>>, vector<16xf32>,
    %mul3A_54 = arith.constant 16 : i32
    %mul3A_55 = arith.muli %add3A, %mul3A_54 : i32
    "tpu.region"() ({
      %run_scoped3A = tpu.sem_alloc : memref<!tpu.dma_semaphore, #tpu.memory_space<semaphore_mem>>
      %dma_start3A = tpu.memref_slice %arg4[%mul3A_55] : memref<512xf32, #tpu.memory_space<hbm>> -> memref<16xf32, #tpu.memory_space<hbm>>
      %dma_start3A_56 = tpu.memref_slice %arg4[%mul3A_55] : memref<512xf32, #tpu.memory_space<hbm>> -> memref<16xf32, #tpu.memory_space<hbm>>
      tpu.enqueue_dma source(%arg8 : memref<16xf32, #tpu.memory_space<vmem>>) target(%dma_start3A_56 : memref<16xf32, #tpu.memory_space<hbm>>) target_semaphore(%run_scoped3A : memref<!tpu.dma_semaphore, #tpu.memory_space<semaphore_mem>>)
      %dma_wait3A = tpu.memref_slice %arg4[%mul3A_55] : memref<512xf32, #tpu.memory_space<hbm>> -> memref<16xf32, #tpu.memory_space<hbm>>
      %dma_wait3A_57 = tpu.memref_slice %arg4[%mul3A_55] : memref<512xf32, #tpu.memory_space<hbm>> -> memref<16xf32, #tpu.memory_space<hbm>>
      tpu.wait_dma2 semaphore(%run_scoped3A : memref<!tpu.dma_semaphore, #tpu.memory_space<semaphore_mem>>) src(%arg8 : memref<16xf32, #tpu.memory_space<vmem>>) dst(%dma_wait3A_57 : memref<16xf32, #tpu.memory_space<hbm>>)
      tpu.yield
    }) : () -> ()
    return
  }
}

module attributes {stable_mosaic.version = 14 : i64} {
  func.func @_nll_body(%arg0: i32, %arg1: memref<1x20000x21xf32, #tpu.memory_space<vmem>>, %arg2: memref<1x1x20000xi32, #tpu.memory_space<vmem>>, %arg3: memref<1x1x20000xf32, #tpu.memory_space<vmem>>) attributes {dimension_semantics = [#tpu.dimension_semantics<arbitrary>], iteration_bounds = array<i64: 32>, scalar_prefetch = 0 : i64, scratch_operands = 0 : i64, tpu.core_type = #tpu.core_type<tc>, window_params = [{transform_indices = @transform_0, window_bounds = array<i64: 1, 20000, 21>}, {transform_indices = @transform_1, window_bounds = array<i64: 1, 1, 20000>}, {transform_indices = @transform_2, window_bounds = array<i64: 1, 1, 20000>}]} {
    %get3A = arith.constant 0 : index
    %get3A_0 = arith.constant 0 : index
    %get3A_1 = arith.constant 0 : index
    %get3A_2 = vector.load %arg1[%get3A, %get3A_0, %get3A_1] : memref<1x20000x21xf32, #tpu.memory_space<vmem>>, vector<1x20000x21xf32>
    %squeeze3A = vector.shape_cast %get3A_2 : vector<1x20000x21xf32> to vector<20000x21xf32>
    %transpose3A = tpu.transpose %squeeze3A, [1, 0] : vector<20000x21xf32> -> vector<21x20000xf32>
    %exp3A = math.exp %transpose3A : vector<21x20000xf32>
    %reduce_sum3A = arith.constant dense<0.000000e+00> : vector<20000xf32>
    %reduce_sum3A_3 = vector.multi_reduction <add>, %exp3A, %reduce_sum3A [0] : vector<21x20000xf32> to vector<20000xf32>
    %broadcast_in_dim3A = vector.shape_cast %reduce_sum3A_3 : vector<20000xf32> to vector<1x20000xf32>
    %get3A_4 = arith.constant 0 : index
    %get3A_5 = arith.constant 0 : index
    %get3A_6 = arith.constant 0 : index
    %get3A_7 = vector.load %arg2[%get3A_4, %get3A_5, %get3A_6] : memref<1x1x20000xi32, #tpu.memory_space<vmem>>, vector<1x1x20000xi32>
    %squeeze3A_8 = vector.shape_cast %get3A_7 : vector<1x1x20000xi32> to vector<1x20000xi32>
    %iota3A = tpu.iota {dimensions = array<i32: 0>} : vector<21x20000xi32>
    %eq3A = vector.broadcast %squeeze3A_8 : vector<1x20000xi32> to vector<21x20000xi32>
    %eq3A_9 = arith.cmpi eq, %iota3A, %eq3A : vector<21x20000xi32>
    %jit3A = arith.constant 0.000000e+00 : f32
    %broadcast_in_dim3A_10 = vector.broadcast %jit3A : f32 to vector<21x20000xf32>
    %select_n3A = arith.select %eq3A_9, %transpose3A, %broadcast_in_dim3A_10 : vector<21x20000xi1>, vector<21x20000xf32>
    %reduce_sum3A_11 = arith.constant dense<0.000000e+00> : vector<20000xf32>
    %reduce_sum3A_12 = vector.multi_reduction <add>, %select_n3A, %reduce_sum3A_11 [0] : vector<21x20000xf32> to vector<20000xf32>
    %broadcast_in_dim3A_13 = vector.shape_cast %reduce_sum3A_12 : vector<20000xf32> to vector<1x20000xf32>
    %log3A = math.log %broadcast_in_dim3A : vector<1x20000xf32>
    %sub3A = arith.subf %log3A, %broadcast_in_dim3A_13 : vector<1x20000xf32>
    %broadcast_in_dim3A_14 = vector.shape_cast %sub3A : vector<1x20000xf32> to vector<1x1x20000xf32>
    %swap3A = arith.constant 0 : index
    %swap3A_15 = arith.constant 0 : index
    %swap3A_16 = arith.constant 0 : index
    %swap3A_17 = vector.load %arg3[%swap3A, %swap3A_15, %swap3A_16] : memref<1x1x20000xf32, #tpu.memory_space<vmem>>, vector<1x1x20000xf32>
    tpu.vector_store %arg3[%swap3A, %swap3A_15, %swap3A_16], %broadcast_in_dim3A_14 {strides = array<i32>} : memref<1x1x20000xf32, #tpu.memory_space<vmem>>, vector<1x1x20000xf32>,
    return
  }
  func.func @transform_0(%arg0: i32) -> (i32, i32, i32) {
    %c0_i32 = arith.constant 0 : i32
    %c0_i32_0 = arith.constant 0 : i32
    %c0_i32_1 = arith.constant 0 : i32
    return %arg0, %c0_i32, %c0_i32_0 : i32, i32, i32
  }
  func.func @transform_1(%arg0: i32) -> (i32, i32, i32) {
    %c0_i32 = arith.constant 0 : i32
    %c0_i32_0 = arith.constant 0 : i32
    %c0_i32_1 = arith.constant 0 : i32
    return %arg0, %c0_i32, %c0_i32_0 : i32, i32, i32
  }
  func.func @transform_2(%arg0: i32) -> (i32, i32, i32) {
    %c0_i32 = arith.constant 0 : i32
    %c0_i32_0 = arith.constant 0 : i32
    %c0_i32_1 = arith.constant 0 : i32
    return %arg0, %c0_i32, %c0_i32_0 : i32, i32, i32
  }
}

module attributes {stable_mosaic.version = 14 : i64} {
  func.func @_sl1_body(%arg0: i32, %arg1: memref<32x128xf32, #tpu.memory_space<vmem>>, %arg2: memref<1x625x128xf32, #tpu.memory_space<vmem>>, %arg3: memref<1x625x32xi32, #tpu.memory_space<vmem>>, %arg4: memref<1x1x128xf32, #tpu.memory_space<vmem>>) attributes {dimension_semantics = [#tpu.dimension_semantics<arbitrary>], iteration_bounds = array<i64: 32>, scalar_prefetch = 0 : i64, scratch_operands = 0 : i64, tpu.core_type = #tpu.core_type<tc>, window_params = [{pipeline_mode = #tpu.pipeline_mode<synchronous>, transform_indices = @transform_0, window_bounds = array<i64: 32, 128>}, {transform_indices = @transform_1, window_bounds = array<i64: 1, 625, 128>}, {transform_indices = @transform_2, window_bounds = array<i64: 1, 625, 32>}, {transform_indices = @transform_3, window_bounds = array<i64: 1, 1, 128>}]} {
    %get3A = arith.constant 0 : index
    %get3A_0 = arith.constant 0 : index
    %get3A_1 = arith.constant 0 : index
    %get3A_2 = vector.load %arg2[%get3A, %get3A_0, %get3A_1] : memref<1x625x128xf32, #tpu.memory_space<vmem>>, vector<1x625x128xf32>
    %squeeze3A = vector.shape_cast %get3A_2 : vector<1x625x128xf32> to vector<625x128xf32>
    %abs3A = math.absf %squeeze3A : vector<625x128xf32>
    %lt3A = arith.constant 1.000000e+00 : f32
    %lt3A_3 = vector.broadcast %lt3A : f32 to vector<625x128xf32>
    %lt3A_4 = arith.cmpf olt, %abs3A, %lt3A_3 : vector<625x128xf32>
    %mul3A = arith.constant 5.000000e-01 : f32
    %mul3A_5 = vector.broadcast %mul3A : f32 to vector<625x128xf32>
    %mul3A_6 = arith.mulf %mul3A_5, %squeeze3A : vector<625x128xf32>
    %mul3A_7 = arith.mulf %mul3A_6, %squeeze3A : vector<625x128xf32>
    %sub3A = arith.constant 5.000000e-01 : f32
    %sub3A_8 = vector.broadcast %sub3A : f32 to vector<625x128xf32>
    %sub3A_9 = arith.subf %abs3A, %sub3A_8 : vector<625x128xf32>
    %select_n3A = arith.select %lt3A_4, %mul3A_7, %sub3A_9 : vector<625x128xi1>, vector<625x128xf32>
    %get3A_10 = arith.constant 0 : index
    %get3A_11 = arith.constant 0 : index
    %get3A_12 = arith.constant 0 : index
    %get3A_13 = vector.load %arg3[%get3A_10, %get3A_11, %get3A_12] : memref<1x625x32xi32, #tpu.memory_space<vmem>>, vector<1x625x32xi32>
    %squeeze3A_14 = vector.shape_cast %get3A_13 : vector<1x625x32xi32> to vector<625x32xi32>
    %gt3A = arith.constant 0 : i32
    %gt3A_15 = vector.broadcast %gt3A : i32 to vector<625x32xi32>
    %gt3A_16 = arith.cmpi sgt, %squeeze3A_14, %gt3A_15 : vector<625x32xi32>
    %convert_element_type3A = arith.extui %gt3A_16 : vector<625x32xi1> to vector<625x32xi32>
    %convert_element_type3A_17 = arith.sitofp %convert_element_type3A : vector<625x32xi32> to vector<625x32xf32>
    %get3A_18 = arith.constant 0 : index
    %get3A_19 = arith.constant 0 : index
    %get3A_20 = vector.load %arg1[%get3A_18, %get3A_19] : memref<32x128xf32, #tpu.memory_space<vmem>>, vector<32x128xf32>
    %dot_general3A = arith.constant dense<0.000000e+00> : vector<625x128xf32>
    %dot_general3A_21 = tpu.matmul %convert_element_type3A_17, %get3A_20, %dot_general3A {dimension_numbers = #tpu.dot_dimension_numbers<[1], [0], [0], [1], [0, 0, 1, 1], [], []>, transpose_lhs_hint = false} : vector<625x32xf32>, vector<32x128xf32>, vector<625x128xf32> -> vector<625x128xf32>
    %mul3A_22 = arith.mulf %select_n3A, %dot_general3A_21 : vector<625x128xf32>
    %reduce_sum3A = vector.shape_cast %mul3A_22 : vector<625x128xf32> to vector<1x625x128xf32>
    %reduce_sum3A_23 = arith.constant dense<0.000000e+00> : vector<1xf32>
    %reduce_sum3A_24 = vector.multi_reduction <add>, %reduce_sum3A, %reduce_sum3A_23 [1, 2] : vector<1x625x128xf32> to vector<1xf32>
    %reduce_sum3A_25 = vector.shape_cast %reduce_sum3A_24 : vector<1xf32> to vector<1x1x1xf32>
    %reduce_sum3A_26 = vector.extract %reduce_sum3A_25[0, 0, 0] : f32 from vector<1x1x1xf32>
    %iota3A = tpu.iota {dimensions = array<i32: 1>} : vector<1x128xi32>
    %eq3A = arith.constant 0 : i32
    %eq3A_27 = vector.broadcast %eq3A : i32 to vector<1x128xi32>
    %eq3A_28 = arith.cmpi eq, %iota3A, %eq3A_27 : vector<1x128xi32>
    %jit3A = arith.constant 0.000000e+00 : f32
    %broadcast_in_dim3A = vector.broadcast %reduce_sum3A_26 : f32 to vector<1x128xf32>
    %broadcast_in_dim3A_29 = vector.broadcast %jit3A : f32 to vector<1x128xf32>
    %select_n3A_30 = arith.select %eq3A_28, %broadcast_in_dim3A, %broadcast_in_dim3A_29 : vector<1x128xi1>, vector<1x128xf32>
    %broadcast_in_dim3A_31 = vector.shape_cast %select_n3A_30 : vector<1x128xf32> to vector<1x1x128xf32>
    %swap3A = arith.constant 0 : index
    %swap3A_32 = arith.constant 0 : index
    %swap3A_33 = arith.constant 0 : index
    %swap3A_34 = vector.load %arg4[%swap3A, %swap3A_32, %swap3A_33] : memref<1x1x128xf32, #tpu.memory_space<vmem>>, vector<1x1x128xf32>
    tpu.vector_store %arg4[%swap3A, %swap3A_32, %swap3A_33], %broadcast_in_dim3A_31 {strides = array<i32>} : memref<1x1x128xf32, #tpu.memory_space<vmem>>, vector<1x1x128xf32>,
    return
  }
  func.func @transform_0(%arg0: i32) -> (i32, i32) {
    %c0_i32 = arith.constant 0 : i32
    %c0_i32_0 = arith.constant 0 : i32
    %c0_i32_1 = arith.constant 0 : i32
    return %c0_i32, %c0_i32_0 : i32, i32
  }
  func.func @transform_1(%arg0: i32) -> (i32, i32, i32) {
    %c0_i32 = arith.constant 0 : i32
    %c0_i32_0 = arith.constant 0 : i32
    %c0_i32_1 = arith.constant 0 : i32
    return %arg0, %c0_i32, %c0_i32_0 : i32, i32, i32
  }
  func.func @transform_2(%arg0: i32) -> (i32, i32, i32) {
    %c0_i32 = arith.constant 0 : i32
    %c0_i32_0 = arith.constant 0 : i32
    %c0_i32_1 = arith.constant 0 : i32
    return %arg0, %c0_i32, %c0_i32_0 : i32, i32, i32
  }
  func.func @transform_3(%arg0: i32) -> (i32, i32, i32) {
    %c0_i32 = arith.constant 0 : i32
    %c0_i32_0 = arith.constant 0 : i32
    %c0_i32_1 = arith.constant 0 : i32
    return %arg0, %c0_i32, %c0_i32_0 : i32, i32, i32
  }
}

</mosaic_0001>

<sc_bundles>
// kernel: kernel.5.cloned.1.call-start
scs
__scs_entry_jumppad:
0x0: {  	(pc) =	sbr.rel $0x88, $3  }
0x1: {  	(tag) =	ssettag $0x0;
	lr =	simm.s32 $0x1  }
0x2: {  	[smem:$0x3F9D] =	sst lr;
	_ =	strace $0xD0000000  }
0x3: {  	_ = 	snop  }
0x4: {  	_ = 	snop  }
0x5: {  	_ = 	snop  }
0x6: {  	_ = 	snop  }
0x7: {  	_ = 	snop  }
__scs_overlays_trampoline_lowered:
0x8: {  	[smem:$0x3FAC] =	sst s0  }
0x9: {  	[smem:$0x3FAD] =	sst s1  }
0xa: {  	[smem:$0x3FAE] =	sst s2  }
0xb: {  	[smem:$0x3FAF] =	sst s3  }
0xc: {  	[smem:$0x3FB0] =	sst s4  }
0xd: {  	[smem:$0x3FB1] =	sst s5  }
0xe: {  	[smem:$0x3FB2] =	sst s6  }
0xf: {  	[smem:$0x3FB3] =	sst s7  }
0x10: {  	[smem:$0x3FB4] =	sst s8  }
0x11: {  	[smem:$0x3FB5] =	sst s9;
	s0 =	simm.s32 @!p0 $0x0  }
0x12: {  	s1 =	sld [smem:$0x3F9B];
	s0 =	simm.s32 @p0 $0x1  }
0x13: {  	[smem:$0x3FB6] =	sst s0;
	s0 =	simm.s32 @!p1 $0x0  }
0x14: {  	s2 =	sld [smem:$0x3F9A];
	s0 =	simm.s32 @p1 $0x1  }
0x15: {  	[smem:$0x3FB7] =	sst s0;
	s0 =	simm.s32 @!p2 $0x0  }
0x16: {  	s3 =	sld [smem:$0x3FDB];
	s0 =	simm.s32 @p2 $0x1  }
0x17: {  	s4 =	simm.s32 $0x1BF5;
	[smem:$0x3FB9] =	sst s0  }
0x18: {  	s0 =	sld [smem:$0x3F9C];
	_ =	swait.ge [sflag:s4], $0x0  }
0x19: {  	s7 =	sld [smem:$0x3F9D]  }
0x1a: {  	s8 =	sadd.s32 $0xFFFFE003, lr  }
0x1b: {  	s9 =	sadd.s32 $0xFFFFFEF7, lr;
	s5 =	simm.s32 $0xFFFFFFFF;
	p2 =	slt.u32 s8, $0xFFFFF086  }
0x1c: {  	p1 =	slt.u32 s9, $0xF7A;
	s5 =	simm.s32 @!p2 $0x0  }
0x1d: {  	s5 =	simm.s32 @p1 $0x1;
	p0 =	seq.s32 s7, s2  }
0x1e: {  	s7 =	smul.u32 @!p0 $0xF7A, s2;
	p2 =	seq.s32 @!p0 s5, $0x0  }
0x1f: {  	s9 =	smul.u32 $0xF7A, s1;
	s8 =	simm.s32 @!p0 $0x1BF5;
	p2 =	por !p2, p0  }
0x20: {  	[sflag:s8] =	ssyncset.s32 @!p0 $0xFFFFF086;
	s6 =	sadd.s32 @!p0 s3, s7;
	s7 =	simm.s32 @!p0 $0x108  }
0x21: {  	s3 =	sadd.s32 s3, s9;
	s6 =	sadd.s32 @!p0 $0x88, s6;
	s7 =	simm.s32 @p2 $0x1082  }
0x22: {  	[simem:s7], [sflag:s8] =	dma.local @!p0 [hbm:s6], $0xF7A  }
0x23: {  	s9 =	sor.u32 $0xD0000000, s2;
	s6 =	simm.s32 $0x108;
	_ =	swait.ge @!p0 [sflag:s8], $0x0  }
0x24: {  	s3 =	sadd.s32 $0x88, s3;
	s6 =	simm.s32 @!p1 $0x1082;
	[sflag:s4] =	ssyncset.s32 $0xFFFFF086  }
0x25: {  	[simem:s6], [sflag:s4] =	dma.local [hbm:s3], $0xF7A  }
0x26: {  	[smem:$0x3F9D] =	sst s1;
	(tag) =	ssettag s2;
	_ =	strace s9  }
0x27: {  	s1 =	sld [smem:$0x3FAD]  }
0x28: {  	s2 =	sld [smem:$0x3FAE]  }
0x29: {  	s4 =	sld [smem:$0x3FB0]  }
0x2a: {  	p0 =	seq.s32 s5, $0x0;
	s5 =	sld [smem:$0x3FB1]  }
0x2b: {  	s6 =	sld [smem:$0x3FB2]  }
0x2c: {  	s7 =	sld [smem:$0x3FB3]  }
0x2d: {  	s3 =	simm.s32 $0x108;
	s8 =	sld [smem:$0x3FB4]  }
0x2e: {  	s3 =	simm.s32 @!p0 $0x1082;
	s9 =	sld [smem:$0x3FB5]  }
0x2f: {  	lr =	sadd.s32 s0, s3;
	s0 =	sld [smem:$0x3FAC]  }
0x30: {  	s3 =	sld [smem:$0x3FAF]  }
0x31: {  	[smem:$0x3FB8] =	sst s10  }
0x32: {  	s10 =	sld [smem:$0x3FB6];
	_ =	sdelay $0x3  }
0x33: {  	p0 =	seq.s32 s10, $0x1;
	s10 =	sld [smem:$0x3FB8];
	_ =	sdelay $0x3  }
0x34: {  	[smem:$0x3FB8] =	sst s10  }
0x35: {  	s10 =	sld [smem:$0x3FB7];
	_ =	sdelay $0x3  }
0x36: {  	p1 =	seq.s32 s10, $0x1;
	s10 =	sld [smem:$0x3FB8];
	_ =	sdelay $0x3  }
0x37: {  	[smem:$0x3FB8] =	sst s10  }
0x38: {  	s10 =	sld [smem:$0x3FB9]  }
0x39: {  	_ = 	snop;
	(pc) =	sbr.ind lr, $3  }
0x3a: {  	_ = 	snop  }
0x3b: {  	_ = 	snop  }
0x3c: {  	p2 =	seq.s32 s10, $0x1;
	s10 =	sld [smem:$0x3FB8]  }
0x3d: {  	_ =	shalt  }
0x3e: {  	_ =	shalt  }
0x3f: {  	_ =	shalt  }
0x40: {  	_ =	shalt  }
0x41: {  	_ =	shalt  }
0x42: {  	_ =	shalt  }
0x43: {  	_ =	shalt  }
0x44: {  	_ =	shalt  }
0x45: {  	_ =	shalt  }
0x46: {  	_ =	shalt  }
0x47: {  	_ =	shalt  }
0x48: {  	_ =	shalt  }
0x49: {  	_ =	shalt  }
0x4a: {  	_ =	shalt  }
0x4b: {  	_ =	shalt  }
0x4c: {  	_ =	shalt  }
0x4d: {  	_ =	shalt  }
0x4e: {  	_ =	shalt  }
0x4f: {  	_ =	shalt  }
0x50: {  	_ =	shalt  }
0x51: {  	_ =	shalt  }
0x52: {  	_ =	shalt  }
0x53: {  	_ =	shalt  }
0x54: {  	_ =	shalt  }
0x55: {  	_ =	shalt  }
0x56: {  	_ =	shalt  }
0x57: {  	_ =	shalt  }
0x58: {  	_ =	shalt  }
0x59: {  	_ =	shalt  }
0x5a: {  	_ =	shalt  }
0x5b: {  	_ =	shalt  }
0x5c: {  	_ =	shalt  }
0x5d: {  	_ =	shalt  }
0x5e: {  	_ =	shalt  }
0x5f: {  	_ =	shalt  }
0x60: {  	_ =	shalt  }
0x61: {  	_ =	shalt  }
0x62: {  	_ =	shalt  }
0x63: {  	_ =	shalt  }
0x64: {  	_ =	shalt  }
0x65: {  	_ =	shalt  }
0x66: {  	_ =	shalt  }
0x67: {  	_ =	shalt  }
0x68: {  	_ =	shalt  }
0x69: {  	_ =	shalt  }
0x6a: {  	_ =	shalt  }
0x6b: {  	_ =	shalt  }
0x6c: {  	_ =	shalt  }
0x6d: {  	_ =	shalt  }
0x6e: {  	_ =	shalt  }
0x6f: {  	_ =	shalt  }
0x70: {  	_ =	shalt  }
0x71: {  	_ =	shalt  }
0x72: {  	_ =	shalt  }
0x73: {  	_ =	shalt  }
0x74: {  	_ =	shalt  }
0x75: {  	_ =	shalt  }
0x76: {  	_ =	shalt  }
0x77: {  	_ =	shalt  }
0x78: {  	_ =	shalt  }
0x79: {  	_ =	shalt  }
0x7a: {  	_ =	shalt  }
0x7b: {  	_ =	shalt  }
0x7c: {  	_ =	shalt  }
0x7d: {  	_ =	shalt  }
0x7e: {  	_ =	shalt  }
0x7f: {  	_ =	shalt  }
0x80: {  	_ =	shalt  }
0x81: {  	_ =	shalt  }
0x82: {  	_ =	shalt  }
0x83: {  	_ =	shalt  }
0x84: {  	_ =	shalt  }
0x85: {  	_ =	shalt  }
0x86: {  	_ =	shalt  }
0x87: {  	_ =	shalt  }
.Lfunc_end0:
.L_simem_size_0:
called_computation_lowered:
.L_overlay_start_0:
0x88: {  	s2 =	sld [smem:$0x3FD9]  }
0x89: {  	s3 =	sld [smem:$0x3FFE];
	_ =	sdelay $0x1  }
0x8a: {  	s1 =	srdreg.scid  }
0x8b: {  	s0 =	sand.u32 $0x1, s1  }
0x8c: {  	s16 =	sshll.u32 s0, $0xA;
	s2 =	sadd.s32 s3, s2  }
0x8d: {  	s2 =	sadd.s32 s2, s16  }
0x8e: {  	[smem:$0x3FC4] =	sst s2  }
0x8f: {  	_ = 	snop  }
0x90: {  	(tm) =	ssettm $0x1  }
0x91: {  	s17 =	sld [smem:$0x3FFB];
	_ =	sdelay $0x3  }
0x92: {  	_ =	strace s17  }
0x93: {  	s2 =	sld [smem:$0x3FFC];
	_ =	sdelay $0x3  }
0x94: {  	_ =	strace s2  }
0x95: {  	s2 =	sld [smem:$0x3FFD];
	_ =	sdelay $0x3  }
0x96: {  	_ =	strace s2  }
0x97: {  	_ =	strace $0x8FFFFFFF  }
0x98: {  	s18 =	sld [smem:$0x3FDB];
	_ =	sdelay $0x1  }
0x99: {  	s19 =	simm.s32 $_scs_section_size  }
0x9a: {  	s4 =	simm.s32 $_size__tile_overlayer_lowered;
	s5 =	simm.s32 $_tile_overlayer_lowered  }
0x9b: {  	s22 =	simm.s32 $0x1BFF;
	s21 =	sshll.u32 s5, $0x1;
	s2 =	sadd.s32 s19, s18  }
0x9c: {  	s6 =	simm.s32 $0x0;
	s20 =	sshll.u32 s4, $0x1;
	s4 =	sadd.s32 s21, s2  }
0x9d: {  	[timem:s6], [sflag:s22] =	dma.local [hbm:s4], s20  }
0x9e: {  	_ =	swait.ge [sflag:s22], s20  }
0x9f: {  	s3 =	ssub.s32 $0x0, s20;
	[sflag:s22] =	ssyncset.done $0x0  }
0xa0: {  	[sflag:s22] =	ssyncadd.s32 s3;
	_ =	sdelay $0x1  }
0xa1: {  	s23 =	simm.s32 $0x1B8B  }
0xa2: {  	_ =	swait.ge [sflag:s23], $0x1  }
0xa3: {  	[sflag:s23] =	ssyncset.done $0x0  }
0xa4: {  	s25 =	simm.s32 $0x1B8E;
	s24 =	sld [smem:$0x3FFE];
	[sflag:s23] =	ssyncadd.s32 $0xFFFFFFFF  }
0xa5: {  	s26 =	simm.s32 $execute0_lowered;
	[smem:$0x3FD2] =	sst s25  }
0xa6: {  	s4 =	sshll.u32 s26, $0x1;
	_ =	strace $0x80000046;
	[dreg:$0x1] =	wrdreg $0xFFFFFFFF  }
0xa7: {  	s28 =	simm.s32 $_size_execute0_lowered;
	s2 =	sadd.s32 s2, s4;
	[dreg:$0x0] =	wrdreg $0x0  }
0xa8: {  	s4 =	sshll.u32 s28, $0x1;
	[dreg:$0x2] =	wrdreg s2  }
0xa9: {  	[dreg:$0x3] =	wrdreg s4  }
0xaa: {  	[dreg:$0x4] =	wrdreg $0xC0  }
0xab: {  	_ =	task [dreg:s6], $0x5FFFF  }
0xac: {  	[dreg:$0x1] =	wrdreg $0xFFFFFFFF  }
0xad: {  	[dreg:$0x0] =	wrdreg $0x60  }
0xae: {  	[dreg:$0x2] =	wrdreg s24  }
0xaf: {  	[dreg:$0x3] =	wrdreg $0x9  }
0xb0: {  	_ =	task.clear_ibuf [dreg:s6], $0x4FFFF;
	_ =	strace $0x90000046  }
0xb1: {  	s29 =	simm.s32 $0x9;
	_ =	strace $0x80000048  }
0xb2: {  	_ =	swait.ge [sflag:s29], $0x1  }
0xb3: {  	[sflag:s29] =	ssyncadd.s32 $0xFFFFFFFF  }
0xb4: {  	_ =	strace $0x90000048  }
0xb5: {  	_ =	sfence  }
0xb6: {  	s30 =	sld [smem:$0x0];
	_ =	sdelay $0x2  }
0xb7: {  	s31 =	sshll.u32 s1, $0xD;
	s1 =	sshrl.u32 s1, $0x2  }
0xb8: {  	s3 =	sand.u32 $0x4000, s31;
	s1 =	sadd.s32 s1, s30  }
0xb9: {  	s0 =	sor.u32 s3, s0;
	s1 =	sshll.u32 s1, $0x11  }
0xba: {  	s0 =	sor.u32 s1, s0  }
0xbb: {  	s0 =	sadd.s32 $0x8F2B, s0  }
0xbc: {  	[sflag:s0] =	ssyncadd.remote.s32 $0x1  }
0xbd: {  	_ =	sfence.sel $0xFFFF  }
0xbe: {  	[dreg:$0x0] =	wrdreg $0xFFFFFFFF;
	(pc) =	sbr.abs _section_cstart, $3  }
0xbf: {  	[dreg:$0x1] =	wrdreg $0xFFFFFFFF  }
0xc0: {  	_ =	task.clear_ibuf [dreg:s6], $0x2FFFF;
	_ =	strace $0x9FFFFFFF  }
0xc1: {  	(tm) =	ssettm $0x7FFFFFFF  }
tec
execute0_lowered:
.L_overlay_start_1:
0x0: {  	(tag) =	ssettag $0x1  }
0x1: {  	s2 =	rddreg [dreg:$0x0]  }
0x2: {  	s0 =	rddreg [dreg:$0x1];
	s3 =	simm.s32 $0x0  }
0x3: {  	s4 =	srdreg.scid;
	s1 =	stileid.u32;
	s9 =	simm.s32 $0x7D0  }
0x4: {  	s10 =	simm.s32 $0x5DC0;
	s11 =	simm.s32 $0x0;
	[smem:$0x7FF] =	sst s3  }
.Ltmp0:
0x5: {  	s4 =	sand.u32 $0x1, s4;
	s5 =	sshll.u32 s1, $0x1;
	(pc) =	sbr.rel .LBB2_1-.Ltmp0, $4  }
0x6: {  	_ =	strace $0x80000047;
	s5 =	sor.u32 s4, s5;
	s6 =	ssub.s32 $0x2, s4  }
0x7: {  	s4 =	sadd.s32 $0x13A00, s2;
	s7 =	sshll.u32 s5, $0x1;
	s8 =	sshrl.u32 s6, $0x1  }
0x8: {  	s5 =	smul.u32 $0x4E20, s5;
	s7 =	sadd.s32 s7, s2;
	s8 =	ssub.s32 s6, s8  }
0x9: {  	v0 =	vimm.s32 $0x0;
	vm0 =	vcmask $0x300;
	vm1 =	vcmask $0x704;
	s6 =	sadd.s32 $0x27400, s7;
	s7 =	smax.u32 s8, $0x1;
	s8 =	simm.s32 $0x1  }
.LBB2_12:
0xa: {  	s14 =	ssub.s32 s14, s20  }
0xb: {  	s16 =	scvt.s32.f32 s14;
	_ =	sdelay $0x1  }
0xc: {  	s15 =	smul.f32 s16, s15  }
0xd: {  	p0 =	sgt.s32 s14, $0x0  }
0xe: {  	s15 =	simm.s32 @!p0 $0x0  }
0xf: {  	s31 =	sadd.f32 s15, s19;
	_ =	sdelay $0x1  }
0x10: {  	s12 =	scvt.s32.f32 s12;
	s13 =	sadd.f32 s31, s13  }
0x11: {  	_ = 	snop  }
0x12: {  	v2 =	vmov s12;
	v1 =	vmov s13  }
0x13: {  	v2 =	vnsel vm1, $0x0, v2;
	v1 =	vnsel vm0, $0x0, v1  }
0x14: {  	s11 =	sadd.s32 $0x1, s11;
	v1 =	vadd.f32 v1, v2  }
0x15: {  	p0 =	sne.s32 s11, s7  }
.Ltmp1:
0x16: {  	[tilespmem:$0x5DC0] =	vst v1;
	(pc) =	sbr.rel @!p0 .LBB2_13-.Ltmp1, $4  }
0x17: {  	[hbm4b:s6+s3] =	stream.linear.scatter [tilespmem:s10], [sflag:$0x1], $0x10, $0x38;
	[tilespmem:$0x5DD0] =	vst v63  }
0x18: {  	_ =	swait.ge [sflag:s8], $0x10  }
0x19: {  	[sflag:s8] =	ssyncset.done $0x0  }
0x1a: {  	[sflag:s8] =	ssyncadd.s32 $0xFFFFFFF0  }
.LBB2_1:
0x1b: {  	v1 =	vimm.f32 $0.0e+00  }
0x1c: {  	s12 =	simm.s32 $0xFA0;
	v3 =	vimm.s32 $0x0;
	v2 =	vimm.s32 $0x0;
	v4 =	vimm.f32 $0.0e+00;
	s13 =	simm.s32 $0x0  }
.LBB2_2:
0x1d: {  	s14 =	smul.u32 $0x7D0, s13;
	_ =	sdelay $0x1  }
0x1e: {  	s14 =	sadd.s32 s5, s14  }
0x1f: {  	s14 =	sshrl.u32 s14, $0x3  }
0x20: {  	s16 =	simm.s32 $0x0;
	s15 =	sadd.s32 s4, s14  }
0x21: {  	[tilespmem:s16], [sflag:$0x1] =	stream.linear.gather [hbm4b:s15+s16], $0x7D0, $0x38;
	[tilespmem:$0x5DD0] =	vst v63  }
0x22: {  	_ =	swait.ge [sflag:s8], $0x7D0  }
0x23: {  	[sflag:s8] =	ssyncset.done $0x0  }
0x24: {  	s14 =	sadd.s32 s2, s14;
	[sflag:s8] =	ssyncadd.s32 $0xFFFFF830  }
0x25: {  	[tilespmem:s9], [sflag:$0x1] =	stream.linear.gather [hbm4b:s14+s16], $0x7D0, $0x38;
	[tilespmem:$0x5DD0] =	vst v63  }
0x26: {  	_ =	swait.ge [sflag:s8], $0x7D0  }
0x27: {  	[sflag:s8] =	ssyncset.done $0x0  }
0x28: {  	s14 =	simm.s32 $0x0;
	[sflag:s8] =	ssyncadd.s32 $0xFFFFF830  }
0x29: {  	v6 =	vld [tilespmem:s14+$0x7D0]  }
0x2a: {  	v9 =	vld [tilespmem:s14+$0x0];
	_ =	sdelay $0x1  }
0x2b: {  	v5 =	vmov s12;
	_ =	sdelay $0x2  }
0x2c: {  	vm2 =	vgt.s32 v6, $0x0;
	v6 =	vmax.f32 v9, $0.0e+00  }
0x2d: {  	s15 =	simm.s32 $0x80;
	s16 =	simm.s32 $0x40;
	v8 =	vsel vm2, $0x0, v6;
	v7 =	vsel vm2, $0x1, v0;
	v6 =	vnsel vm2, $0x0, v9  }
.LBB2_3:
0x2e: {  	p0 =	sne.s32 s15, $0x1F00;
	[tilespmem:v5+s14+$0x0 ss:$0x1] =	vst.idx.msk $0xffff, v8;
	s14 =	sshra.s32 s16, $0x2;
	v4 =	vadd.f32 v8, v4;
	vm2 =	vgt.f32 v8, $0.0e+00;
	v3 =	vadd.s32 v7, v3;
	s16 =	smov.u32 s15  }
0x2f: {  	v1 =	vadd.f32 v6, v1;
	v7 =	vld [tilespmem:s14+$0x7D0];
	v8 =	vsel vm2, $0x1, v0  }
0x30: {  	v6 =	vld [tilespmem:s14+$0x0];
	v2 =	vadd.s32 v8, v2;
	_ =	sdelay $0x1  }
.Ltmp2:
0x31: {  	(pc) =	sbr.rel @p0 .LBB2_3-.Ltmp2, $3  }
0x32: {  	_ =	sdelay $0x1  }
0x33: {  	vm2 =	vgt.s32 v7, $0x0;
	v7 =	vmax.f32 v6, $0.0e+00  }
0x34: {  	s15 =	sadd.s32 $0x40, s15;
	v6 =	vnsel vm2, $0x0, v6;
	v8 =	vsel vm2, $0x0, v7;
	v7 =	vsel vm2, $0x1, v0  }
0x35: {  	_ =	sdelay $0x3  }
0x36: {  	s15 =	sshra.s32 s16, $0x2;
	[tilespmem:v5+s14+$0x0 ss:$0x1] =	vst.idx.msk $0xffff, v8  }
0x37: {  	v9 =	vld [tilespmem:s15+$0x7D0]  }
0x38: {  	v10 =	vld [tilespmem:s15+$0x0];
	_ =	sdelay $0x2  }
0x39: {  	s13 =	sadd.s32 $0x1, s13  }
0x3a: {  	v4 =	vadd.f32 v8, v4;
	vm2 =	vgt.f32 v8, $0.0e+00;
	p0 =	sne.s32 s13, $0xA  }
.Ltmp3:
0x3b: {  	v8 =	vsel vm2, $0x1, v0;
	vm2 =	vgt.s32 v9, $0x0;
	v62 =	vmax.f32 v10, $0.0e+00;
	(pc) =	sbr.rel @p0 .LBB2_2-.Ltmp3, $4  }
0x3c: {  	v3 =	vadd.s32 v7, v3;
	v1 =	vadd.f32 v6, v1;
	v6 =	vsel vm2, $0x0, v62  }
0x3d: {  	v7 =	vsel vm2, $0x1, v0;
	v63 =	vnsel vm2, $0x0, v10;
	vm2 =	vgt.f32 v6, $0.0e+00  }
0x3e: {  	v2 =	vadd.s32 v8, v2;
	[tilespmem:v5+s15+$0x0 ss:$0x1] =	vst.idx.msk $0xffff, v6;
	v4 =	vadd.f32 v6, v4;
	v5 =	vsel vm2, $0x1, v0  }
0x3f: {  	s12 =	sadd.s32 $0x7D0, s12;
	v3 =	vadd.s32 v7, v3;
	v1 =	vadd.f32 v63, v1;
	v2 =	vadd.s32 v5, v2  }
0x40: {  	(xrf2) =	vadd.scan.msk.f32 $0xffff, v4;
	_ =	sdelay $0x4  }
0x41: {  	(xrf0) =	vadd.scan.msk.s32 $0xffff, v2  }
0x42: {  	(xrf0) =	vadd.scan.msk.s32 $0xffff, v3;
	_ =	sdelay $0x3  }
0x43: {  	(xrf2) =	vadd.scan.msk.f32 $0xffff, v1;
	v1, _, _ =	vpop (xrf2)  }
0x44: {  	v2, _, _ =	vpop (xrf0);
	(v2sf) =	vpush v1, $0xF  }
0x45: {  	v1, _, _ =	vpop (xrf0);
	(v2sf) =	vpush v2, $0xF  }
0x46: {  	(v2sf) =	vpush v1, $0xF;
	_ =	sdelay $0x8  }
0x47: {  	v1, _, _ =	vpop (xrf2)  }
0x48: {  	(v2sf) =	vpush v1, $0xF;
	_ =	sdelay $0x2  }
0x49: {  	s19 =	spop (v2sf)  }
0x4a: {  	s20 =	spop (v2sf)  }
0x4b: {  	s12 =	spop (v2sf)  }
0x4c: {  	s14 =	smul.u32 $0x3, s12;
	_ =	sdelay $0x1  }
0x4d: {  	p0 =	slt.s32 s14, $0x4E1F  }
0x4e: {  	s14 =	simm.s32 @!p0 $0x4E1F  }
0x4f: {  	p0 =	slt.s32 s14, s20  }
.Ltmp4:
0x50: {  	_ = 	snop;
	(pc) =	sbr.rel @!p0 .LBB2_12-.Ltmp4, $3  }
0x51: {  	_ =	sdelay $0x1  }
0x52: {  	s15 =	simm.f32 $0.0e+00;
	s18 =	simm.s32 $0x0  }
0x53: {  	s16 =	simm.s32 $0x7F800001;
	s17 =	simm.s32 $0x0;
	s13 =	spop (v2sf)  }
.LBB2_6:
0x54: {  	s15 =	ssub.s32 s16, s18  }
0x55: {  	s20 =	simm.s32 $0x0;
	s15 =	sshra.s32 s15, $0x1  }
0x56: {  	v3 =	vld [tilespmem:s20+$0xFA0];
	s19 =	sadd.s32 s18, s15  }
0x57: {  	v1 =	vimm.s32 $0x0;
	s15 =	simm.s32 $0x40;
	v2 =	vmov s19  }
.LBB2_7:
0x58: {  	p0 =	sne.s32 s15, $0x13840  }
.Ltmp5:
0x59: {  	_ = 	snop;
	(pc) =	sbr.rel @p0 .LBB2_7-.Ltmp5, $4  }
0x5a: {  	_ = 	snop  }
0x5b: {  	s20 =	sshra.s32 s15, $0x2;
	s15 =	sadd.s32 $0x40, s15;
	vm2 =	vge.s32 v3, v2  }
0x5c: {  	v3 =	vld [tilespmem:s20+$0xFA0];
	v4 =	vsel vm2, $0x1, v0  }
0x5d: {  	v1 =	vadd.s32 v4, v1  }
0x5e: {  	_ =	sdelay $0x2  }
0x5f: {  	vm2 =	vge.s32 v3, v2  }
0x60: {  	v2 =	vsel vm2, $0x1, v0  }
0x61: {  	v1 =	vadd.s32 v2, v1  }
0x62: {  	(xrf0) =	vadd.scan.msk.s32 $0xffff, v1;
	_ =	sdelay $0x5  }
0x63: {  	v1, _, _ =	vpop (xrf0)  }
0x64: {  	(v2sf) =	vpush v1, $0xF;
	_ =	sdelay $0xb  }
0x65: {  	s17 =	sadd.s32 $0x1, s17  }
0x66: {  	p1 =	seq.s32 s17, $0x1F  }
.Ltmp6:
0x67: {  	_ = 	snop;
	(pc) =	sbr.rel @!p1 .LBB2_6-.Ltmp6, $4  }
0x68: {  	s15 =	spop (v2sf)  }
0x69: {  	p0 =	slt.s32 s15, s14;
	s15 =	smov.u32 s19  }
0x6a: {  	s15 =	smov.u32 @p0 s18  }
0x6b: {  	s16 =	smov.u32 @p0 s19;
	s18 =	smov.u32 s15  }
0x6c: {  	s17 =	simm.s32 $0x0  }
0x6d: {  	v4 =	vld [tilespmem:s17+$0xFA0]  }
0x6e: {  	v2 =	vmov s15;
	v1 =	vimm.s32 $0x0;
	v3 =	vimm.f32 $0.0e+00;
	s16 =	simm.s32 $0x40  }
.LBB2_10:
0x6f: {  	p0 =	sne.s32 s16, $0x13840  }
.Ltmp7:
0x70: {  	_ = 	snop;
	(pc) =	sbr.rel @p0 .LBB2_10-.Ltmp7, $4  }
0x71: {  	_ = 	snop  }
0x72: {  	s17 =	sshra.s32 s16, $0x2;
	s16 =	sadd.s32 $0x40, s16;
	vm2 =	vlt.s32 v2, v4  }
0x73: {  	v5 =	vsel vm2, $0x1, v0;
	v6 =	vnsel vm2, $0x0, v4;
	v4 =	vld [tilespmem:s17+$0xFA0]  }
0x74: {  	v1 =	vadd.s32 v5, v1;
	v3 =	vadd.f32 v6, v3  }
0x75: {  	_ =	sdelay $0x2  }
0x76: {  	vm2 =	vlt.s32 v2, v4  }
0x77: {  	v2 =	vnsel vm2, $0x0, v4  }
0x78: {  	v2 =	vadd.f32 v2, v3;
	_ =	sdelay $0x1  }
0x79: {  	(xrf2) =	vadd.scan.msk.f32 $0xffff, v2  }
0x7a: {  	v2 =	vsel vm2, $0x1, v0  }
0x7b: {  	v1 =	vadd.s32 v2, v1  }
0x7c: {  	(xrf0) =	vadd.scan.msk.s32 $0xffff, v1;
	_ =	sdelay $0x5  }
0x7d: {  	v1, _, _ =	vpop (xrf0)  }
0x7e: {  	(v2sf) =	vpush v1, $0xF;
	v1, _, _ =	vpop (xrf2)  }
0x7f: {  	(v2sf) =	vpush v1, $0xF;
	_ =	sdelay $0xa  }
.Ltmp8:
0x80: {  	_ = 	snop;
	(pc) =	sbr.rel .LBB2_12-.Ltmp8, $3  }
0x81: {  	_ =	sdelay $0x1  }
0x82: {  	s20 =	spop (v2sf)  }
0x83: {  	s19 =	spop (v2sf)  }
.LBB2_13:
0x84: {  	_ =	sfence.sel $0x180000  }
0x85: {  	[bflag:$0x0] =	sbarrier.arrive $0xFFFF  }
0x86: {  	p0 =	sne.s32 s1, $0x0;
	_ =	strace $0x90000047  }
0x87: {  	s0 =	sadd.s32 @!p0 $0x100000, s0;
	[bflag:$0x2] =	sbarrier.arrive $0xFFFF  }
0x88: {  	[sflag:s0] =	ssyncadd.tile.s32 @!p0 $0x1;
	_ =	shalt  }
.Lfunc_end2:
_tile_overlayer_lowered:
.L_overlay_start_2:
0x89: {  	(tag) =	ssettag $0x2  }
0x8a: {  	s0 =	rddreg [dreg:$0x0];
	s2 =	stileid.u32  }
0x8b: {  	s1 =	rddreg [dreg:$0x1];
	p0 =	sne.s32 s2, $0x0  }
0x8c: {  	s3 =	rddreg [dreg:$0x2];
	[bflag:$0x3] =	sbarrier.arrive $0xFFFF;
	s2 =	simm.s32 @!p0 $0x1C01  }
0x8d: {  	[timem:s3], [sflag:s2] =	dma.local @!p0 [hbm:s0], s1  }
0x8e: {  	s0 =	simm.s32 @!p0 $0x1  }
0x8f: {  	_ =	swait.ge @!p0 [sflag:s0], s1  }
0x90: {  	s1 =	ssub.s32 @!p0 $0x0, s1;
	[sflag:s0] =	ssyncset.done @!p0 $0x0  }
0x91: {  	[sflag:s0] =	ssyncadd.s32 @!p0 s1  }
0x92: {  	[bflag:$0x3] =	sbarrier.arrive $0xFFFF  }
0x93: {  	_ =	shalt  }

</sc_bundles>
